<compile_context>
chip_gen: v7x
topology: tpu7x:2x2x1
jax: 0.10.2.dev20260603
libtpu: 0.0.44.dev20260713+nightly
codegen_flags: <defaults>
</compile_context>

<pallas_src>
import functools

import jax
import jax.numpy as jnp
from jax import lax
from jax.experimental import pallas as pl
from jax.experimental.pallas import tpu as pltpu
from jax.experimental.pallas import tpu_sc as plsc

VOCAB = 21
EMB_DIM = 128
BATCH = 4096
SEQ_LEN = 50
_ROWS = BATCH * SEQ_LEN

_info = plsc.get_sparse_core_info()
_NC = _info.num_cores
_NS = _info.num_subcores
_NW = _NC * _NS
_WROWS = _ROWS // _NW
_CHUNK = 128
_NCHUNK = _WROWS // _CHUNK


def _tr_body(idx_ref, out_ref):
    out_ref[...] = jnp.transpose(idx_ref[...], (1, 0))


_transpose = pl.pallas_call(
    _tr_body,
    out_shape=jax.ShapeDtypeStruct((SEQ_LEN, BATCH), jnp.int32),
)


def _emb_body(idxT_hbm, table_hbm, out_hbm,
              idxT_v, rows0_v, rows1_v, rows2_v, rows3_v, rows4_v, table_sh,
              sem_r0, sem_r1, sem_r2, sem_r3, sem_r4,
              sem_s0, sem_s1, sem_s2, sem_s3, sem_s4):
    sid = lax.axis_index("s")
    wid = sid * _NC + lax.axis_index("c")
    r0 = wid * _WROWS

    @pl.when(sid == 0)
    def _():
        pltpu.sync_copy(table_hbm, table_sh)

    pltpu.sync_copy(idxT_hbm.at[wid], idxT_v)
    plsc.subcore_barrier()

    def gather(c, rows, sem):
        pltpu.async_copy(table_sh.at[idxT_v.at[c]], rows, sem)

    def gather_wait(c, rows, sem):
        pltpu.make_async_copy(table_sh.at[idxT_v.at[c]], rows, sem).wait()

    def scatter(c, rows, sem):
        pltpu.async_copy(rows, out_hbm.at[pl.ds(r0 + c * _CHUNK, _CHUNK), :],
                         sem)

    def scatter_wait(c, rows, sem):
        pltpu.make_async_copy(rows,
                              out_hbm.at[pl.ds(r0 + c * _CHUNK, _CHUNK), :],
                              sem).wait()

    rows = (rows0_v, rows1_v, rows2_v, rows3_v, rows4_v)
    sem_r = (sem_r0, sem_r1, sem_r2, sem_r3, sem_r4)
    sem_s = (sem_s0, sem_s1, sem_s2, sem_s3, sem_s4)
    _NBUF = 5

    for q in range(_NBUF):
        gather(q, rows[q], sem_r[q])

    def quad(p, carry):
        c0 = _NBUF * p
        for q in range(_NBUF):
            gather_wait(c0 + q, rows[q], sem_r[q])
            scatter(c0 + q, rows[q], sem_s[q])
        for q in range(_NBUF):
            scatter_wait(c0 + q, rows[q], sem_s[q])

            @pl.when(c0 + q + _NBUF < _NCHUNK)
            def _():
                gather(c0 + q + _NBUF, rows[q], sem_r[q])

        return carry

    lax.fori_loop(0, _NCHUNK // _NBUF, quad, 0)

    _REM = _NCHUNK % _NBUF
    _BASE = _NCHUNK - _REM
    for q in range(_REM):
        gather_wait(_BASE + q, rows[q], sem_r[q])
        scatter(_BASE + q, rows[q], sem_s[q])
    for q in range(_REM):
        scatter_wait(_BASE + q, rows[q], sem_s[q])


_emb_kernel = functools.partial(
    pl.kernel,
    mesh=plsc.VectorSubcoreMesh(core_axis_name="c", subcore_axis_name="s"),
    out_type=jax.ShapeDtypeStruct((_ROWS, EMB_DIM), jnp.float32),
    scratch_types=[
        pltpu.VMEM((_NCHUNK, _CHUNK), jnp.int32),
        pltpu.VMEM((_CHUNK, EMB_DIM), jnp.float32),
        pltpu.VMEM((_CHUNK, EMB_DIM), jnp.float32),
        pltpu.VMEM((_CHUNK, EMB_DIM), jnp.float32),
        pltpu.VMEM((_CHUNK, EMB_DIM), jnp.float32),
        pltpu.VMEM((_CHUNK, EMB_DIM), jnp.float32),
        pltpu.VMEM_SHARED((VOCAB, EMB_DIM), jnp.float32),
        pltpu.SemaphoreType.DMA,
        pltpu.SemaphoreType.DMA,
        pltpu.SemaphoreType.DMA,
        pltpu.SemaphoreType.DMA,
        pltpu.SemaphoreType.DMA,
        pltpu.SemaphoreType.DMA,
        pltpu.SemaphoreType.DMA,
        pltpu.SemaphoreType.DMA,
        pltpu.SemaphoreType.DMA,
        pltpu.SemaphoreType.DMA,
    ],
)(_emb_body)


def kernel(indices, table):
    idx_t = _transpose(indices.astype(jnp.int32))
    idx_t = idx_t.reshape(_NW, _NCHUNK, _CHUNK)
    out = _emb_kernel(idx_t, table)
    return out.reshape(SEQ_LEN, BATCH, EMB_DIM)

# --- scband reference (transcript-rebuilt; emitter-appended) ---
"""Pipeline reference for scband-emb-module-26414048870764 (READ-ONLY COPY).

The authoritative reference and input builder live on the scoring server;
editing this copy changes nothing except your own understanding.
"""

import jax, jax.numpy as jnp
import numpy as np

VOCAB = 21
EMB_DIM = 128
BATCH = 4096
SEQ_LEN = 50

def setup_inputs(seed: int = 0) -> dict:
    key = jax.random.key(seed)
    k1, k2 = jax.random.split(key)
    # indices correspond to aa_dict-encoded, X-padded sequences of equal length max_s_l
    indices = jax.random.randint(k1, (BATCH, SEQ_LEN), 0, VOCAB, dtype=jnp.int64 if jax.config.jax_enable_x64 else jnp.int32)
    table = jax.random.normal(k2, (VOCAB, EMB_DIM), dtype=jnp.float32)
    return {"indices": indices, "table": table}

def reference(indices, table):
    # Original: per-sequence nn.Embedding lookup on padded char indices,
    # then torch.nn.utils.rnn.pad_sequence (seq-first) -> [max_s_l, B, emb_dim].
    emb = jnp.take(table, indices, axis=0)          # [B, L, D]
    out = jnp.transpose(emb, (1, 0, 2))             # [L, B, D] (pad_sequence default batch_first=False)
    return out

if __name__ == "__main__":
    import jax
    _d = setup_inputs()
    print(jax.jit(kernel)(*tuple(_d.values())))

</pallas_src>

<mosaic_0001>
#map = affine_map<(d0, d1) -> (0, 0, 0)>
#map1 = affine_map<(d0, d1) -> (0, 0)>
module attributes {stable_mosaic.version = 14 : i64} {
  func.func @_emb_body(%arg0: i32, %arg1: i32, %arg2: memref<32x50x128xi32, #tpu.memory_space<hbm>>, %arg3: memref<21x128xf32, #tpu.memory_space<hbm>>, %arg4: memref<204800x128xf32, #tpu.memory_space<hbm>>, %arg5: memref<50x128xi32, #tpu.memory_space<vmem>>, %arg6: memref<128x128xf32, #tpu.memory_space<vmem>>, %arg7: memref<128x128xf32, #tpu.memory_space<vmem>>, %arg8: memref<128x128xf32, #tpu.memory_space<vmem>>, %arg9: memref<128x128xf32, #tpu.memory_space<vmem>>, %arg10: memref<128x128xf32, #tpu.memory_space<vmem>>, %arg11: memref<21x128xf32, #tpu.memory_space<vmem_shared>>, %arg12: memref<!tpu.dma_semaphore, #tpu.memory_space<semaphore_mem>>, %arg13: memref<!tpu.dma_semaphore, #tpu.memory_space<semaphore_mem>>, %arg14: memref<!tpu.dma_semaphore, #tpu.memory_space<semaphore_mem>>, %arg15: memref<!tpu.dma_semaphore, #tpu.memory_space<semaphore_mem>>, %arg16: memref<!tpu.dma_semaphore, #tpu.memory_space<semaphore_mem>>, %arg17: memref<!tpu.dma_semaphore, #tpu.memory_space<semaphore_mem>>, %arg18: memref<!tpu.dma_semaphore, #tpu.memory_space<semaphore_mem>>, %arg19: memref<!tpu.dma_semaphore, #tpu.memory_space<semaphore_mem>>, %arg20: memref<!tpu.dma_semaphore, #tpu.memory_space<semaphore_mem>>, %arg21: memref<!tpu.dma_semaphore, #tpu.memory_space<semaphore_mem>>) attributes {dimension_semantics = [#tpu.dimension_semantics<core_parallel>, #tpu.dimension_semantics<subcore_parallel>], iteration_bounds = array<i64: 2, 16>, scalar_prefetch = 0 : i64, scratch_operands = 17 : i64, tpu.core_type = #tpu.core_type<sc_vector_subcore>, window_params = [{transform_indices = #map}, {transform_indices = #map1}, {transform_indices = #map1}]} {
    %mul3A = arith.constant 2 : i32
    %mul3A_0 = arith.muli %arg1, %mul3A : i32
    %add3A = arith.addi %mul3A_0, %arg0 : i32
    %mul3A_1 = arith.constant 6400 : i32
    %mul3A_2 = arith.muli %add3A, %mul3A_1 : i32
    %eq3A = arith.constant 0 : i32
    %eq3A_3 = arith.cmpi eq, %arg1, %eq3A : i32
    %convert_element_type3A = arith.extui %eq3A_3 : i1 to i32
    %cond3A = arith.constant 0 : i32
    %cond3A_4 = arith.cmpi ne, %convert_element_type3A, %cond3A : i32
    scf.if %cond3A_4 {
      "tpu.region"() ({
        %run_scoped3A = tpu.sem_alloc : memref<!tpu.dma_semaphore, #tpu.memory_space<semaphore_mem>>
        tpu.enqueue_dma source(%arg3 : memref<21x128xf32, #tpu.memory_space<hbm>>) target(%arg11 : memref<21x128xf32, #tpu.memory_space<vmem_shared>>) target_semaphore(%run_scoped3A : memref<!tpu.dma_semaphore, #tpu.memory_space<semaphore_mem>>)
        tpu.wait_dma2 semaphore(%run_scoped3A : memref<!tpu.dma_semaphore, #tpu.memory_space<semaphore_mem>>) src(%arg3 : memref<21x128xf32, #tpu.memory_space<hbm>>) dst(%arg11 : memref<21x128xf32, #tpu.memory_space<vmem_shared>>)
        tpu.yield
      }) : () -> ()
    } else {
    }
    "tpu.region"() ({
      %run_scoped3A = tpu.sem_alloc : memref<!tpu.dma_semaphore, #tpu.memory_space<semaphore_mem>>
      %dma_start3A_44 = arith.constant 0 : i32
      %dma_start3A_45 = arith.constant 0 : i32
      %dma_start3A_46 = tpu.memref_slice %arg2[%add3A, %dma_start3A_44, %dma_start3A_45] : memref<32x50x128xi32, #tpu.memory_space<hbm>> -> memref<1x50x128xi32, #tpu.memory_space<hbm>>
      %dma_start3A_47 = tpu.memref_squeeze %dma_start3A_46 : memref<1x50x128xi32, #tpu.memory_space<hbm>> -> memref<50x128xi32, #tpu.memory_space<hbm>>
      %dma_start3A_48 = arith.constant 0 : i32
      %dma_start3A_49 = arith.constant 0 : i32
      %dma_start3A_50 = tpu.memref_slice %arg2[%add3A, %dma_start3A_48, %dma_start3A_49] : memref<32x50x128xi32, #tpu.memory_space<hbm>> -> memref<1x50x128xi32, #tpu.memory_space<hbm>>
      %dma_start3A_51 = tpu.memref_squeeze %dma_start3A_50 : memref<1x50x128xi32, #tpu.memory_space<hbm>> -> memref<50x128xi32, #tpu.memory_space<hbm>>
      tpu.enqueue_dma source(%dma_start3A_51 : memref<50x128xi32, #tpu.memory_space<hbm>>) target(%arg5 : memref<50x128xi32, #tpu.memory_space<vmem>>) target_semaphore(%run_scoped3A : memref<!tpu.dma_semaphore, #tpu.memory_space<semaphore_mem>>)
      %dma_wait3A = arith.constant 0 : i32
      %dma_wait3A_52 = arith.constant 0 : i32
      %dma_wait3A_53 = tpu.memref_slice %arg2[%add3A, %dma_wait3A, %dma_wait3A_52] : memref<32x50x128xi32, #tpu.memory_space<hbm>> -> memref<1x50x128xi32, #tpu.memory_space<hbm>>
      %dma_wait3A_54 = tpu.memref_squeeze %dma_wait3A_53 : memref<1x50x128xi32, #tpu.memory_space<hbm>> -> memref<50x128xi32, #tpu.memory_space<hbm>>
      %dma_wait3A_55 = arith.constant 0 : i32
      %dma_wait3A_56 = arith.constant 0 : i32
      %dma_wait3A_57 = tpu.memref_slice %arg2[%add3A, %dma_wait3A_55, %dma_wait3A_56] : memref<32x50x128xi32, #tpu.memory_space<hbm>> -> memref<1x50x128xi32, #tpu.memory_space<hbm>>
      %dma_wait3A_58 = tpu.memref_squeeze %dma_wait3A_57 : memref<1x50x128xi32, #tpu.memory_space<hbm>> -> memref<50x128xi32, #tpu.memory_space<hbm>>
      tpu.wait_dma2 semaphore(%run_scoped3A : memref<!tpu.dma_semaphore, #tpu.memory_space<semaphore_mem>>) src(%dma_wait3A_58 : memref<50x128xi32, #tpu.memory_space<hbm>>) dst(%arg5 : memref<50x128xi32, #tpu.memory_space<vmem>>)
      tpu.yield
    }) : () -> ()
    %barrier3A = arith.constant 0 : index
    tpu.barrier barrier_id(%barrier3A)
    %dma_start3A = arith.constant 0 : i32
    %dma_start3A_5 = arith.constant 0 : i32
    %dma_start3A_6 = tpu.memref_slice %arg5[%dma_start3A, %dma_start3A_5] : memref<50x128xi32, #tpu.memory_space<vmem>> -> memref<1x128xi32, #tpu.memory_space<vmem>>
    %dma_start3A_7 = tpu.memref_squeeze %dma_start3A_6 : memref<1x128xi32, #tpu.memory_space<vmem>> -> memref<128xi32, #tpu.memory_space<vmem>>
    %dma_start3A_8 = arith.constant 0 : i32
    %dma_start3A_9 = arith.constant 0 : i32
    %dma_start3A_10 = tpu.memref_slice %arg11[%dma_start3A_8, %dma_start3A_9] : memref<21x128xf32, #tpu.memory_space<vmem_shared>> -> memref<21x128xf32, #tpu.memory_space<vmem_shared>>
    tpu.enqueue_indirect_dma source(%dma_start3A_10 : memref<21x128xf32, #tpu.memory_space<vmem_shared>>) target(%arg6 : memref<128x128xf32, #tpu.memory_space<vmem>>) offsets(%dma_start3A_7 : memref<128xi32, #tpu.memory_space<vmem>>) semaphore(%arg12 : memref<!tpu.dma_semaphore, #tpu.memory_space<semaphore_mem>>)
    %dma_start3A_11 = arith.constant 1 : i32
    %dma_start3A_12 = arith.constant 0 : i32
    %dma_start3A_13 = tpu.memref_slice %arg5[%dma_start3A_11, %dma_start3A_12] : memref<50x128xi32, #tpu.memory_space<vmem>> -> memref<1x128xi32, #tpu.memory_space<vmem>>
    %dma_start3A_14 = tpu.memref_squeeze %dma_start3A_13 : memref<1x128xi32, #tpu.memory_space<vmem>> -> memref<128xi32, #tpu.memory_space<vmem>>
    %dma_start3A_15 = arith.constant 0 : i32
    %dma_start3A_16 = arith.constant 0 : i32
    %dma_start3A_17 = tpu.memref_slice %arg11[%dma_start3A_15, %dma_start3A_16] : memref<21x128xf32, #tpu.memory_space<vmem_shared>> -> memref<21x128xf32, #tpu.memory_space<vmem_shared>>
    tpu.enqueue_indirect_dma source(%dma_start3A_17 : memref<21x128xf32, #tpu.memory_space<vmem_shared>>) target(%arg7 : memref<128x128xf32, #tpu.memory_space<vmem>>) offsets(%dma_start3A_14 : memref<128xi32, #tpu.memory_space<vmem>>) semaphore(%arg13 : memref<!tpu.dma_semaphore, #tpu.memory_space<semaphore_mem>>)
    %dma_start3A_18 = arith.constant 2 : i32
    %dma_start3A_19 = arith.constant 0 : i32
    %dma_start3A_20 = tpu.memref_slice %arg5[%dma_start3A_18, %dma_start3A_19] : memref<50x128xi32, #tpu.memory_space<vmem>> -> memref<1x128xi32, #tpu.memory_space<vmem>>
    %dma_start3A_21 = tpu.memref_squeeze %dma_start3A_20 : memref<1x128xi32, #tpu.memory_space<vmem>> -> memref<128xi32, #tpu.memory_space<vmem>>
    %dma_start3A_22 = arith.constant 0 : i32
    %dma_start3A_23 = arith.constant 0 : i32
    %dma_start3A_24 = tpu.memref_slice %arg11[%dma_start3A_22, %dma_start3A_23] : memref<21x128xf32, #tpu.memory_space<vmem_shared>> -> memref<21x128xf32, #tpu.memory_space<vmem_shared>>
    tpu.enqueue_indirect_dma source(%dma_start3A_24 : memref<21x128xf32, #tpu.memory_space<vmem_shared>>) target(%arg8 : memref<128x128xf32, #tpu.memory_space<vmem>>) offsets(%dma_start3A_21 : memref<128xi32, #tpu.memory_space<vmem>>) semaphore(%arg14 : memref<!tpu.dma_semaphore, #tpu.memory_space<semaphore_mem>>)
    %dma_start3A_25 = arith.constant 3 : i32
    %dma_start3A_26 = arith.constant 0 : i32
    %dma_start3A_27 = tpu.memref_slice %arg5[%dma_start3A_25, %dma_start3A_26] : memref<50x128xi32, #tpu.memory_space<vmem>> -> memref<1x128xi32, #tpu.memory_space<vmem>>
    %dma_start3A_28 = tpu.memref_squeeze %dma_start3A_27 : memref<1x128xi32, #tpu.memory_space<vmem>> -> memref<128xi32, #tpu.memory_space<vmem>>
    %dma_start3A_29 = arith.constant 0 : i32
    %dma_start3A_30 = arith.constant 0 : i32
    %dma_start3A_31 = tpu.memref_slice %arg11[%dma_start3A_29, %dma_start3A_30] : memref<21x128xf32, #tpu.memory_space<vmem_shared>> -> memref<21x128xf32, #tpu.memory_space<vmem_shared>>
    tpu.enqueue_indirect_dma source(%dma_start3A_31 : memref<21x128xf32, #tpu.memory_space<vmem_shared>>) target(%arg9 : memref<128x128xf32, #tpu.memory_space<vmem>>) offsets(%dma_start3A_28 : memref<128xi32, #tpu.memory_space<vmem>>) semaphore(%arg15 : memref<!tpu.dma_semaphore, #tpu.memory_space<semaphore_mem>>)
    %dma_start3A_32 = arith.constant 4 : i32
    %dma_start3A_33 = arith.constant 0 : i32
    %dma_start3A_34 = tpu.memref_slice %arg5[%dma_start3A_32, %dma_start3A_33] : memref<50x128xi32, #tpu.memory_space<vmem>> -> memref<1x128xi32, #tpu.memory_space<vmem>>
    %dma_start3A_35 = tpu.memref_squeeze %dma_start3A_34 : memref<1x128xi32, #tpu.memory_space<vmem>> -> memref<128xi32, #tpu.memory_space<vmem>>
    %dma_start3A_36 = arith.constant 0 : i32
    %dma_start3A_37 = arith.constant 0 : i32
    %dma_start3A_38 = tpu.memref_slice %arg11[%dma_start3A_36, %dma_start3A_37] : memref<21x128xf32, #tpu.memory_space<vmem_shared>> -> memref<21x128xf32, #tpu.memory_space<vmem_shared>>
    tpu.enqueue_indirect_dma source(%dma_start3A_38 : memref<21x128xf32, #tpu.memory_space<vmem_shared>>) target(%arg10 : memref<128x128xf32, #tpu.memory_space<vmem>>) offsets(%dma_start3A_35 : memref<128xi32, #tpu.memory_space<vmem>>) semaphore(%arg16 : memref<!tpu.dma_semaphore, #tpu.memory_space<semaphore_mem>>)
    %scan3A = arith.constant 0 : i32
    %scan3A_39 = arith.constant 0 : i32
    %scan3A_40 = arith.constant 10 : i32
    %scan3A_41 = arith.addi %scan3A_39, %scan3A_40 : i32
    %scan3A_42 = arith.constant 1 : i32
    scf.for %scan3A_44 = %scan3A_39 to %scan3A_41 step %scan3A_42  : i32 {
      %mul3A_45 = arith.constant 5 : i32
      %mul3A_46 = arith.muli %mul3A_45, %scan3A_44 : i32
      %add3A_47 = arith.constant 0 : i32
      %add3A_48 = arith.addi %mul3A_46, %add3A_47 : i32
      %dma_wait3A = arith.constant 0 : i32
      %dma_wait3A_49 = tpu.memref_slice %arg5[%add3A_48, %dma_wait3A] : memref<50x128xi32, #tpu.memory_space<vmem>> -> memref<1x128xi32, #tpu.memory_space<vmem>>
      %dma_wait3A_50 = tpu.memref_squeeze %dma_wait3A_49 : memref<1x128xi32, #tpu.memory_space<vmem>> -> memref<128xi32, #tpu.memory_space<vmem>>
      %dma_wait3A_51 = arith.constant 0 : i32
      %dma_wait3A_52 = arith.constant 0 : i32
      %dma_wait3A_53 = tpu.memref_slice %arg11[%dma_wait3A_51, %dma_wait3A_52] : memref<21x128xf32, #tpu.memory_space<vmem_shared>> -> memref<21x128xf32, #tpu.memory_space<vmem_shared>>
      tpu.wait_indirect_dma semaphore(%arg12 : memref<!tpu.dma_semaphore, #tpu.memory_space<semaphore_mem>>) src(%dma_wait3A_53 : memref<21x128xf32, #tpu.memory_space<vmem_shared>>) dst(%arg6 : memref<128x128xf32, #tpu.memory_space<vmem>>)
      %add3A_54 = arith.constant 0 : i32
      %add3A_55 = arith.addi %mul3A_46, %add3A_54 : i32
      %mul3A_56 = arith.constant 128 : i32
      %mul3A_57 = arith.muli %add3A_55, %mul3A_56 : i32
      %add3A_58 = arith.addi %mul3A_2, %mul3A_57 : i32
      %dma_start3A_59 = arith.constant 0 : i32
      %dma_start3A_60 = tpu.memref_slice %arg4[%add3A_58, %dma_start3A_59] : memref<204800x128xf32, #tpu.memory_space<hbm>> -> memref<128x128xf32, #tpu.memory_space<hbm>>
      %dma_start3A_61 = arith.constant 0 : i32
      %dma_start3A_62 = tpu.memref_slice %arg4[%add3A_58, %dma_start3A_61] : memref<204800x128xf32, #tpu.memory_space<hbm>> -> memref<128x128xf32, #tpu.memory_space<hbm>>
      tpu.enqueue_dma source(%arg6 : memref<128x128xf32, #tpu.memory_space<vmem>>) target(%dma_start3A_62 : memref<128x128xf32, #tpu.memory_space<hbm>>) target_semaphore(%arg17 : memref<!tpu.dma_semaphore, #tpu.memory_space<semaphore_mem>>)
      %add3A_63 = arith.constant 1 : i32
      %add3A_64 = arith.addi %mul3A_46, %add3A_63 : i32
      %dma_wait3A_65 = arith.constant 0 : i32
      %dma_wait3A_66 = tpu.memref_slice %arg5[%add3A_64, %dma_wait3A_65] : memref<50x128xi32, #tpu.memory_space<vmem>> -> memref<1x128xi32, #tpu.memory_space<vmem>>
      %dma_wait3A_67 = tpu.memref_squeeze %dma_wait3A_66 : memref<1x128xi32, #tpu.memory_space<vmem>> -> memref<128xi32, #tpu.memory_space<vmem>>
      %dma_wait3A_68 = arith.constant 0 : i32
      %dma_wait3A_69 = arith.constant 0 : i32
      %dma_wait3A_70 = tpu.memref_slice %arg11[%dma_wait3A_68, %dma_wait3A_69] : memref<21x128xf32, #tpu.memory_space<vmem_shared>> -> memref<21x128xf32, #tpu.memory_space<vmem_shared>>
      tpu.wait_indirect_dma semaphore(%arg13 : memref<!tpu.dma_semaphore, #tpu.memory_space<semaphore_mem>>) src(%dma_wait3A_70 : memref<21x128xf32, #tpu.memory_space<vmem_shared>>) dst(%arg7 : memref<128x128xf32, #tpu.memory_space<vmem>>)
      %add3A_71 = arith.constant 1 : i32
      %add3A_72 = arith.addi %mul3A_46, %add3A_71 : i32
      %mul3A_73 = arith.constant 128 : i32
      %mul3A_74 = arith.muli %add3A_72, %mul3A_73 : i32
      %add3A_75 = arith.addi %mul3A_2, %mul3A_74 : i32
      %dma_start3A_76 = arith.constant 0 : i32
      %dma_start3A_77 = tpu.memref_slice %arg4[%add3A_75, %dma_start3A_76] : memref<204800x128xf32, #tpu.memory_space<hbm>> -> memref<128x128xf32, #tpu.memory_space<hbm>>
      %dma_start3A_78 = arith.constant 0 : i32
      %dma_start3A_79 = tpu.memref_slice %arg4[%add3A_75, %dma_start3A_78] : memref<204800x128xf32, #tpu.memory_space<hbm>> -> memref<128x128xf32, #tpu.memory_space<hbm>>
      tpu.enqueue_dma source(%arg7 : memref<128x128xf32, #tpu.memory_space<vmem>>) target(%dma_start3A_79 : memref<128x128xf32, #tpu.memory_space<hbm>>) target_semaphore(%arg18 : memref<!tpu.dma_semaphore, #tpu.memory_space<semaphore_mem>>)
      %add3A_80 = arith.constant 2 : i32
      %add3A_81 = arith.addi %mul3A_46, %add3A_80 : i32
      %dma_wait3A_82 = arith.constant 0 : i32
      %dma_wait3A_83 = tpu.memref_slice %arg5[%add3A_81, %dma_wait3A_82] : memref<50x128xi32, #tpu.memory_space<vmem>> -> memref<1x128xi32, #tpu.memory_space<vmem>>
      %dma_wait3A_84 = tpu.memref_squeeze %dma_wait3A_83 : memref<1x128xi32, #tpu.memory_space<vmem>> -> memref<128xi32, #tpu.memory_space<vmem>>
      %dma_wait3A_85 = arith.constant 0 : i32
      %dma_wait3A_86 = arith.constant 0 : i32
      %dma_wait3A_87 = tpu.memref_slice %arg11[%dma_wait3A_85, %dma_wait3A_86] : memref<21x128xf32, #tpu.memory_space<vmem_shared>> -> memref<21x128xf32, #tpu.memory_space<vmem_shared>>
      tpu.wait_indirect_dma semaphore(%arg14 : memref<!tpu.dma_semaphore, #tpu.memory_space<semaphore_mem>>) src(%dma_wait3A_87 : memref<21x128xf32, #tpu.memory_space<vmem_shared>>) dst(%arg8 : memref<128x128xf32, #tpu.memory_space<vmem>>)
      %add3A_88 = arith.constant 2 : i32
      %add3A_89 = arith.addi %mul3A_46, %add3A_88 : i32
      %mul3A_90 = arith.constant 128 : i32
      %mul3A_91 = arith.muli %add3A_89, %mul3A_90 : i32
      %add3A_92 = arith.addi %mul3A_2, %mul3A_91 : i32
      %dma_start3A_93 = arith.constant 0 : i32
      %dma_start3A_94 = tpu.memref_slice %arg4[%add3A_92, %dma_start3A_93] : memref<204800x128xf32, #tpu.memory_space<hbm>> -> memref<128x128xf32, #tpu.memory_space<hbm>>
      %dma_start3A_95 = arith.constant 0 : i32
      %dma_start3A_96 = tpu.memref_slice %arg4[%add3A_92, %dma_start3A_95] : memref<204800x128xf32, #tpu.memory_space<hbm>> -> memref<128x128xf32, #tpu.memory_space<hbm>>
      tpu.enqueue_dma source(%arg8 : memref<128x128xf32, #tpu.memory_space<vmem>>) target(%dma_start3A_96 : memref<128x128xf32, #tpu.memory_space<hbm>>) target_semaphore(%arg19 : memref<!tpu.dma_semaphore, #tpu.memory_space<semaphore_mem>>)
      %add3A_97 = arith.constant 3 : i32
      %add3A_98 = arith.addi %mul3A_46, %add3A_97 : i32
      %dma_wait3A_99 = arith.constant 0 : i32
      %dma_wait3A_100 = tpu.memref_slice %arg5[%add3A_98, %dma_wait3A_99] : memref<50x128xi32, #tpu.memory_space<vmem>> -> memref<1x128xi32, #tpu.memory_space<vmem>>
      %dma_wait3A_101 = tpu.memref_squeeze %dma_wait3A_100 : memref<1x128xi32, #tpu.memory_space<vmem>> -> memref<128xi32, #tpu.memory_space<vmem>>
      %dma_wait3A_102 = arith.constant 0 : i32
      %dma_wait3A_103 = arith.constant 0 : i32
      %dma_wait3A_104 = tpu.memref_slice %arg11[%dma_wait3A_102, %dma_wait3A_103] : memref<21x128xf32, #tpu.memory_space<vmem_shared>> -> memref<21x128xf32, #tpu.memory_space<vmem_shared>>
      tpu.wait_indirect_dma semaphore(%arg15 : memref<!tpu.dma_semaphore, #tpu.memory_space<semaphore_mem>>) src(%dma_wait3A_104 : memref<21x128xf32, #tpu.memory_space<vmem_shared>>) dst(%arg9 : memref<128x128xf32, #tpu.memory_space<vmem>>)
      %add3A_105 = arith.constant 3 : i32
      %add3A_106 = arith.addi %mul3A_46, %add3A_105 : i32
      %mul3A_107 = arith.constant 128 : i32
      %mul3A_108 = arith.muli %add3A_106, %mul3A_107 : i32
      %add3A_109 = arith.addi %mul3A_2, %mul3A_108 : i32
      %dma_start3A_110 = arith.constant 0 : i32
      %dma_start3A_111 = tpu.memref_slice %arg4[%add3A_109, %dma_start3A_110] : memref<204800x128xf32, #tpu.memory_space<hbm>> -> memref<128x128xf32, #tpu.memory_space<hbm>>
      %dma_start3A_112 = arith.constant 0 : i32
      %dma_start3A_113 = tpu.memref_slice %arg4[%add3A_109, %dma_start3A_112] : memref<204800x128xf32, #tpu.memory_space<hbm>> -> memref<128x128xf32, #tpu.memory_space<hbm>>
      tpu.enqueue_dma source(%arg9 : memref<128x128xf32, #tpu.memory_space<vmem>>) target(%dma_start3A_113 : memref<128x128xf32, #tpu.memory_space<hbm>>) target_semaphore(%arg20 : memref<!tpu.dma_semaphore, #tpu.memory_space<semaphore_mem>>)
      %add3A_114 = arith.constant 4 : i32
      %add3A_115 = arith.addi %mul3A_46, %add3A_114 : i32
      %dma_wait3A_116 = arith.constant 0 : i32
      %dma_wait3A_117 = tpu.memref_slice %arg5[%add3A_115, %dma_wait3A_116] : memref<50x128xi32, #tpu.memory_space<vmem>> -> memref<1x128xi32, #tpu.memory_space<vmem>>
      %dma_wait3A_118 = tpu.memref_squeeze %dma_wait3A_117 : memref<1x128xi32, #tpu.memory_space<vmem>> -> memref<128xi32, #tpu.memory_space<vmem>>
      %dma_wait3A_119 = arith.constant 0 : i32
      %dma_wait3A_120 = arith.constant 0 : i32
      %dma_wait3A_121 = tpu.memref_slice %arg11[%dma_wait3A_119, %dma_wait3A_120] : memref<21x128xf32, #tpu.memory_space<vmem_shared>> -> memref<21x128xf32, #tpu.memory_space<vmem_shared>>
      tpu.wait_indirect_dma semaphore(%arg16 : memref<!tpu.dma_semaphore, #tpu.memory_space<semaphore_mem>>) src(%dma_wait3A_121 : memref<21x128xf32, #tpu.memory_space<vmem_shared>>) dst(%arg10 : memref<128x128xf32, #tpu.memory_space<vmem>>)
      %add3A_122 = arith.constant 4 : i32
      %add3A_123 = arith.addi %mul3A_46, %add3A_122 : i32
      %mul3A_124 = arith.constant 128 : i32
      %mul3A_125 = arith.muli %add3A_123, %mul3A_124 : i32
      %add3A_126 = arith.addi %mul3A_2, %mul3A_125 : i32
      %dma_start3A_127 = arith.constant 0 : i32
      %dma_start3A_128 = tpu.memref_slice %arg4[%add3A_126, %dma_start3A_127] : memref<204800x128xf32, #tpu.memory_space<hbm>> -> memref<128x128xf32, #tpu.memory_space<hbm>>
      %dma_start3A_129 = arith.constant 0 : i32
      %dma_start3A_130 = tpu.memref_slice %arg4[%add3A_126, %dma_start3A_129] : memref<204800x128xf32, #tpu.memory_space<hbm>> -> memref<128x128xf32, #tpu.memory_space<hbm>>
      tpu.enqueue_dma source(%arg10 : memref<128x128xf32, #tpu.memory_space<vmem>>) target(%dma_start3A_130 : memref<128x128xf32, #tpu.memory_space<hbm>>) target_semaphore(%arg21 : memref<!tpu.dma_semaphore, #tpu.memory_space<semaphore_mem>>)
      %add3A_131 = arith.constant 0 : i32
      %add3A_132 = arith.addi %mul3A_46, %add3A_131 : i32
      %mul3A_133 = arith.constant 128 : i32
      %mul3A_134 = arith.muli %add3A_132, %mul3A_133 : i32
      %add3A_135 = arith.addi %mul3A_2, %mul3A_134 : i32
      %dma_wait3A_136 = arith.constant 0 : i32
      %dma_wait3A_137 = tpu.memref_slice %arg4[%add3A_135, %dma_wait3A_136] : memref<204800x128xf32, #tpu.memory_space<hbm>> -> memref<128x128xf32, #tpu.memory_space<hbm>>
      %dma_wait3A_138 = arith.constant 0 : i32
      %dma_wait3A_139 = tpu.memref_slice %arg4[%add3A_135, %dma_wait3A_138] : memref<204800x128xf32, #tpu.memory_space<hbm>> -> memref<128x128xf32, #tpu.memory_space<hbm>>
      tpu.wait_dma2 semaphore(%arg17 : memref<!tpu.dma_semaphore, #tpu.memory_space<semaphore_mem>>) src(%arg6 : memref<128x128xf32, #tpu.memory_space<vmem>>) dst(%dma_wait3A_139 : memref<128x128xf32, #tpu.memory_space<hbm>>)
      %add3A_140 = arith.constant 0 : i32
      %add3A_141 = arith.addi %mul3A_46, %add3A_140 : i32
      %add3A_142 = arith.constant 5 : i32
      %add3A_143 = arith.addi %add3A_141, %add3A_142 : i32
      %lt3A = arith.constant 50 : i32
      %lt3A_144 = arith.cmpi slt, %add3A_143, %lt3A : i32
      %convert_element_type3A_145 = arith.extui %lt3A_144 : i1 to i32
      %cond3A_146 = arith.constant 0 : i32
      %cond3A_147 = arith.cmpi ne, %convert_element_type3A_145, %cond3A_146 : i32
      scf.if %cond3A_147 {
        %add3A_220 = arith.constant 0 : i32
        %add3A_221 = arith.addi %mul3A_46, %add3A_220 : i32
        %add3A_222 = arith.constant 5 : i32
        %add3A_223 = arith.addi %add3A_221, %add3A_222 : i32
        %dma_start3A_224 = arith.constant 0 : i32
        %dma_start3A_225 = tpu.memref_slice %arg5[%add3A_223, %dma_start3A_224] : memref<50x128xi32, #tpu.memory_space<vmem>> -> memref<1x128xi32, #tpu.memory_space<vmem>>
        %dma_start3A_226 = tpu.memref_squeeze %dma_start3A_225 : memref<1x128xi32, #tpu.memory_space<vmem>> -> memref<128xi32, #tpu.memory_space<vmem>>
        %dma_start3A_227 = arith.constant 0 : i32
        %dma_start3A_228 = arith.constant 0 : i32
        %dma_start3A_229 = tpu.memref_slice %arg11[%dma_start3A_227, %dma_start3A_228] : memref<21x128xf32, #tpu.memory_space<vmem_shared>> -> memref<21x128xf32, #tpu.memory_space<vmem_shared>>
        tpu.enqueue_indirect_dma source(%dma_start3A_229 : memref<21x128xf32, #tpu.memory_space<vmem_shared>>) target(%arg6 : memref<128x128xf32, #tpu.memory_space<vmem>>) offsets(%dma_start3A_226 : memref<128xi32, #tpu.memory_space<vmem>>) semaphore(%arg12 : memref<!tpu.dma_semaphore, #tpu.memory_space<semaphore_mem>>)
      } else {
      }
      %add3A_148 = arith.constant 1 : i32
      %add3A_149 = arith.addi %mul3A_46, %add3A_148 : i32
      %mul3A_150 = arith.constant 128 : i32
      %mul3A_151 = arith.muli %add3A_149, %mul3A_150 : i32
      %add3A_152 = arith.addi %mul3A_2, %mul3A_151 : i32
      %dma_wait3A_153 = arith.constant 0 : i32
      %dma_wait3A_154 = tpu.memref_slice %arg4[%add3A_152, %dma_wait3A_153] : memref<204800x128xf32, #tpu.memory_space<hbm>> -> memref<128x128xf32, #tpu.memory_space<hbm>>
      %dma_wait3A_155 = arith.constant 0 : i32
      %dma_wait3A_156 = tpu.memref_slice %arg4[%add3A_152, %dma_wait3A_155] : memref<204800x128xf32, #tpu.memory_space<hbm>> -> memref<128x128xf32, #tpu.memory_space<hbm>>
      tpu.wait_dma2 semaphore(%arg18 : memref<!tpu.dma_semaphore, #tpu.memory_space<semaphore_mem>>) src(%arg7 : memref<128x128xf32, #tpu.memory_space<vmem>>) dst(%dma_wait3A_156 : memref<128x128xf32, #tpu.memory_space<hbm>>)
      %add3A_157 = arith.constant 1 : i32
      %add3A_158 = arith.addi %mul3A_46, %add3A_157 : i32
      %add3A_159 = arith.constant 5 : i32
      %add3A_160 = arith.addi %add3A_158, %add3A_159 : i32
      %lt3A_161 = arith.constant 50 : i32
      %lt3A_162 = arith.cmpi slt, %add3A_160, %lt3A_161 : i32
      %convert_element_type3A_163 = arith.extui %lt3A_162 : i1 to i32
      %cond3A_164 = arith.constant 0 : i32
      %cond3A_165 = arith.cmpi ne, %convert_element_type3A_163, %cond3A_164 : i32
      scf.if %cond3A_165 {
        %add3A_220 = arith.constant 1 : i32
        %add3A_221 = arith.addi %mul3A_46, %add3A_220 : i32
        %add3A_222 = arith.constant 5 : i32
        %add3A_223 = arith.addi %add3A_221, %add3A_222 : i32
        %dma_start3A_224 = arith.constant 0 : i32
        %dma_start3A_225 = tpu.memref_slice %arg5[%add3A_223, %dma_start3A_224] : memref<50x128xi32, #tpu.memory_space<vmem>> -> memref<1x128xi32, #tpu.memory_space<vmem>>
        %dma_start3A_226 = tpu.memref_squeeze %dma_start3A_225 : memref<1x128xi32, #tpu.memory_space<vmem>> -> memref<128xi32, #tpu.memory_space<vmem>>
        %dma_start3A_227 = arith.constant 0 : i32
        %dma_start3A_228 = arith.constant 0 : i32
        %dma_start3A_229 = tpu.memref_slice %arg11[%dma_start3A_227, %dma_start3A_228] : memref<21x128xf32, #tpu.memory_space<vmem_shared>> -> memref<21x128xf32, #tpu.memory_space<vmem_shared>>
        tpu.enqueue_indirect_dma source(%dma_start3A_229 : memref<21x128xf32, #tpu.memory_space<vmem_shared>>) target(%arg7 : memref<128x128xf32, #tpu.memory_space<vmem>>) offsets(%dma_start3A_226 : memref<128xi32, #tpu.memory_space<vmem>>) semaphore(%arg13 : memref<!tpu.dma_semaphore, #tpu.memory_space<semaphore_mem>>)
      } else {
      }
      %add3A_166 = arith.constant 2 : i32
      %add3A_167 = arith.addi %mul3A_46, %add3A_166 : i32
      %mul3A_168 = arith.constant 128 : i32
      %mul3A_169 = arith.muli %add3A_167, %mul3A_168 : i32
      %add3A_170 = arith.addi %mul3A_2, %mul3A_169 : i32
      %dma_wait3A_171 = arith.constant 0 : i32
      %dma_wait3A_172 = tpu.memref_slice %arg4[%add3A_170, %dma_wait3A_171] : memref<204800x128xf32, #tpu.memory_space<hbm>> -> memref<128x128xf32, #tpu.memory_space<hbm>>
      %dma_wait3A_173 = arith.constant 0 : i32
      %dma_wait3A_174 = tpu.memref_slice %arg4[%add3A_170, %dma_wait3A_173] : memref<204800x128xf32, #tpu.memory_space<hbm>> -> memref<128x128xf32, #tpu.memory_space<hbm>>
      tpu.wait_dma2 semaphore(%arg19 : memref<!tpu.dma_semaphore, #tpu.memory_space<semaphore_mem>>) src(%arg8 : memref<128x128xf32, #tpu.memory_space<vmem>>) dst(%dma_wait3A_174 : memref<128x128xf32, #tpu.memory_space<hbm>>)
      %add3A_175 = arith.constant 2 : i32
      %add3A_176 = arith.addi %mul3A_46, %add3A_175 : i32
      %add3A_177 = arith.constant 5 : i32
      %add3A_178 = arith.addi %add3A_176, %add3A_177 : i32
      %lt3A_179 = arith.constant 50 : i32
      %lt3A_180 = arith.cmpi slt, %add3A_178, %lt3A_179 : i32
      %convert_element_type3A_181 = arith.extui %lt3A_180 : i1 to i32
      %cond3A_182 = arith.constant 0 : i32
      %cond3A_183 = arith.cmpi ne, %convert_element_type3A_181, %cond3A_182 : i32
      scf.if %cond3A_183 {
        %add3A_220 = arith.constant 2 : i32
        %add3A_221 = arith.addi %mul3A_46, %add3A_220 : i32
        %add3A_222 = arith.constant 5 : i32
        %add3A_223 = arith.addi %add3A_221, %add3A_222 : i32
        %dma_start3A_224 = arith.constant 0 : i32
        %dma_start3A_225 = tpu.memref_slice %arg5[%add3A_223, %dma_start3A_224] : memref<50x128xi32, #tpu.memory_space<vmem>> -> memref<1x128xi32, #tpu.memory_space<vmem>>
        %dma_start3A_226 = tpu.memref_squeeze %dma_start3A_225 : memref<1x128xi32, #tpu.memory_space<vmem>> -> memref<128xi32, #tpu.memory_space<vmem>>
        %dma_start3A_227 = arith.constant 0 : i32
        %dma_start3A_228 = arith.constant 0 : i32
        %dma_start3A_229 = tpu.memref_slice %arg11[%dma_start3A_227, %dma_start3A_228] : memref<21x128xf32, #tpu.memory_space<vmem_shared>> -> memref<21x128xf32, #tpu.memory_space<vmem_shared>>
        tpu.enqueue_indirect_dma source(%dma_start3A_229 : memref<21x128xf32, #tpu.memory_space<vmem_shared>>) target(%arg8 : memref<128x128xf32, #tpu.memory_space<vmem>>) offsets(%dma_start3A_226 : memref<128xi32, #tpu.memory_space<vmem>>) semaphore(%arg14 : memref<!tpu.dma_semaphore, #tpu.memory_space<semaphore_mem>>)
      } else {
      }
      %add3A_184 = arith.constant 3 : i32
      %add3A_185 = arith.addi %mul3A_46, %add3A_184 : i32
      %mul3A_186 = arith.constant 128 : i32
      %mul3A_187 = arith.muli %add3A_185, %mul3A_186 : i32
      %add3A_188 = arith.addi %mul3A_2, %mul3A_187 : i32
      %dma_wait3A_189 = arith.constant 0 : i32
      %dma_wait3A_190 = tpu.memref_slice %arg4[%add3A_188, %dma_wait3A_189] : memref<204800x128xf32, #tpu.memory_space<hbm>> -> memref<128x128xf32, #tpu.memory_space<hbm>>
      %dma_wait3A_191 = arith.constant 0 : i32
      %dma_wait3A_192 = tpu.memref_slice %arg4[%add3A_188, %dma_wait3A_191] : memref<204800x128xf32, #tpu.memory_space<hbm>> -> memref<128x128xf32, #tpu.memory_space<hbm>>
      tpu.wait_dma2 semaphore(%arg20 : memref<!tpu.dma_semaphore, #tpu.memory_space<semaphore_mem>>) src(%arg9 : memref<128x128xf32, #tpu.memory_space<vmem>>) dst(%dma_wait3A_192 : memref<128x128xf32, #tpu.memory_space<hbm>>)
      %add3A_193 = arith.constant 3 : i32
      %add3A_194 = arith.addi %mul3A_46, %add3A_193 : i32
      %add3A_195 = arith.constant 5 : i32
      %add3A_196 = arith.addi %add3A_194, %add3A_195 : i32
      %lt3A_197 = arith.constant 50 : i32
      %lt3A_198 = arith.cmpi slt, %add3A_196, %lt3A_197 : i32
      %convert_element_type3A_199 = arith.extui %lt3A_198 : i1 to i32
      %cond3A_200 = arith.constant 0 : i32
      %cond3A_201 = arith.cmpi ne, %convert_element_type3A_199, %cond3A_200 : i32
      scf.if %cond3A_201 {
        %add3A_220 = arith.constant 3 : i32
        %add3A_221 = arith.addi %mul3A_46, %add3A_220 : i32
        %add3A_222 = arith.constant 5 : i32
        %add3A_223 = arith.addi %add3A_221, %add3A_222 : i32
        %dma_start3A_224 = arith.constant 0 : i32
        %dma_start3A_225 = tpu.memref_slice %arg5[%add3A_223, %dma_start3A_224] : memref<50x128xi32, #tpu.memory_space<vmem>> -> memref<1x128xi32, #tpu.memory_space<vmem>>
        %dma_start3A_226 = tpu.memref_squeeze %dma_start3A_225 : memref<1x128xi32, #tpu.memory_space<vmem>> -> memref<128xi32, #tpu.memory_space<vmem>>
        %dma_start3A_227 = arith.constant 0 : i32
        %dma_start3A_228 = arith.constant 0 : i32
        %dma_start3A_229 = tpu.memref_slice %arg11[%dma_start3A_227, %dma_start3A_228] : memref<21x128xf32, #tpu.memory_space<vmem_shared>> -> memref<21x128xf32, #tpu.memory_space<vmem_shared>>
        tpu.enqueue_indirect_dma source(%dma_start3A_229 : memref<21x128xf32, #tpu.memory_space<vmem_shared>>) target(%arg9 : memref<128x128xf32, #tpu.memory_space<vmem>>) offsets(%dma_start3A_226 : memref<128xi32, #tpu.memory_space<vmem>>) semaphore(%arg15 : memref<!tpu.dma_semaphore, #tpu.memory_space<semaphore_mem>>)
      } else {
      }
      %add3A_202 = arith.constant 4 : i32
      %add3A_203 = arith.addi %mul3A_46, %add3A_202 : i32
      %mul3A_204 = arith.constant 128 : i32
      %mul3A_205 = arith.muli %add3A_203, %mul3A_204 : i32
      %add3A_206 = arith.addi %mul3A_2, %mul3A_205 : i32
      %dma_wait3A_207 = arith.constant 0 : i32
      %dma_wait3A_208 = tpu.memref_slice %arg4[%add3A_206, %dma_wait3A_207] : memref<204800x128xf32, #tpu.memory_space<hbm>> -> memref<128x128xf32, #tpu.memory_space<hbm>>
      %dma_wait3A_209 = arith.constant 0 : i32
      %dma_wait3A_210 = tpu.memref_slice %arg4[%add3A_206, %dma_wait3A_209] : memref<204800x128xf32, #tpu.memory_space<hbm>> -> memref<128x128xf32, #tpu.memory_space<hbm>>
      tpu.wait_dma2 semaphore(%arg21 : memref<!tpu.dma_semaphore, #tpu.memory_space<semaphore_mem>>) src(%arg10 : memref<128x128xf32, #tpu.memory_space<vmem>>) dst(%dma_wait3A_210 : memref<128x128xf32, #tpu.memory_space<hbm>>)
      %add3A_211 = arith.constant 4 : i32
      %add3A_212 = arith.addi %mul3A_46, %add3A_211 : i32
      %add3A_213 = arith.constant 5 : i32
      %add3A_214 = arith.addi %add3A_212, %add3A_213 : i32
      %lt3A_215 = arith.constant 50 : i32
      %lt3A_216 = arith.cmpi slt, %add3A_214, %lt3A_215 : i32
      %convert_element_type3A_217 = arith.extui %lt3A_216 : i1 to i32
      %cond3A_218 = arith.constant 0 : i32
      %cond3A_219 = arith.cmpi ne, %convert_element_type3A_217, %cond3A_218 : i32
      scf.if %cond3A_219 {
        %add3A_220 = arith.constant 4 : i32
        %add3A_221 = arith.addi %mul3A_46, %add3A_220 : i32
        %add3A_222 = arith.constant 5 : i32
        %add3A_223 = arith.addi %add3A_221, %add3A_222 : i32
        %dma_start3A_224 = arith.constant 0 : i32
        %dma_start3A_225 = tpu.memref_slice %arg5[%add3A_223, %dma_start3A_224] : memref<50x128xi32, #tpu.memory_space<vmem>> -> memref<1x128xi32, #tpu.memory_space<vmem>>
        %dma_start3A_226 = tpu.memref_squeeze %dma_start3A_225 : memref<1x128xi32, #tpu.memory_space<vmem>> -> memref<128xi32, #tpu.memory_space<vmem>>
        %dma_start3A_227 = arith.constant 0 : i32
        %dma_start3A_228 = arith.constant 0 : i32
        %dma_start3A_229 = tpu.memref_slice %arg11[%dma_start3A_227, %dma_start3A_228] : memref<21x128xf32, #tpu.memory_space<vmem_shared>> -> memref<21x128xf32, #tpu.memory_space<vmem_shared>>
        tpu.enqueue_indirect_dma source(%dma_start3A_229 : memref<21x128xf32, #tpu.memory_space<vmem_shared>>) target(%arg10 : memref<128x128xf32, #tpu.memory_space<vmem>>) offsets(%dma_start3A_226 : memref<128xi32, #tpu.memory_space<vmem>>) semaphore(%arg16 : memref<!tpu.dma_semaphore, #tpu.memory_space<semaphore_mem>>)
      } else {
      }
    }
    %scan3A_43 = arith.constant 10 : i32
    return
  }
}

module attributes {stable_mosaic.version = 14 : i64} {
  func.func @_tr_body(%arg0: memref<4096x50xi32, #tpu.memory_space<vmem>>, %arg1: memref<50x4096xi32, #tpu.memory_space<vmem>>) attributes {dimension_semantics = [], scalar_prefetch = 0 : i64, scratch_operands = 0 : i64, tpu.core_type = #tpu.core_type<tc>} {
    %get3A = arith.constant 0 : index
    %get3A_0 = arith.constant 0 : index
    %get3A_1 = vector.load %arg0[%get3A, %get3A_0] : memref<4096x50xi32, #tpu.memory_space<vmem>>, vector<4096x50xi32>
    %transpose3A = tpu.transpose %get3A_1, [1, 0] : vector<4096x50xi32> -> vector<50x4096xi32>
    %swap3A = arith.constant 0 : index
    %swap3A_2 = arith.constant 0 : index
    %swap3A_3 = vector.load %arg1[%swap3A, %swap3A_2] : memref<50x4096xi32, #tpu.memory_space<vmem>>, vector<50x4096xi32>
    tpu.vector_store %arg1[%swap3A, %swap3A_2], %transpose3A {strides = array<i32>} : memref<50x4096xi32, #tpu.memory_space<vmem>>, vector<50x4096xi32>,
    return
  }
}

</mosaic_0001>

<sc_bundles>
// kernel: kernel.4.cloned.1.call-start
scs
__scs_entry_jumppad:
0x0: {  	(pc) =	sbr.rel $0x88, $3  }
0x1: {  	(tag) =	ssettag $0x0;
	lr =	simm.s32 $0x1  }
0x2: {  	[smem:$0x3F9F] =	sst lr;
	_ =	strace $0xD0000000  }
0x3: {  	_ = 	snop  }
0x4: {  	_ = 	snop  }
0x5: {  	_ = 	snop  }
0x6: {  	_ = 	snop  }
0x7: {  	_ = 	snop  }
__scs_overlays_trampoline_lowered:
0x8: {  	[smem:$0x3FAE] =	sst s0  }
0x9: {  	[smem:$0x3FAF] =	sst s1  }
0xa: {  	[smem:$0x3FB0] =	sst s2  }
0xb: {  	[smem:$0x3FB1] =	sst s3  }
0xc: {  	[smem:$0x3FB2] =	sst s4  }
0xd: {  	[smem:$0x3FB3] =	sst s5  }
0xe: {  	[smem:$0x3FB4] =	sst s6  }
0xf: {  	[smem:$0x3FB5] =	sst s7  }
0x10: {  	[smem:$0x3FB6] =	sst s8  }
0x11: {  	[smem:$0x3FB7] =	sst s9;
	s0 =	simm.s32 @!p0 $0x0  }
0x12: {  	s1 =	sld [smem:$0x3F9D];
	s0 =	simm.s32 @p0 $0x1  }
0x13: {  	[smem:$0x3FB8] =	sst s0;
	s0 =	simm.s32 @!p1 $0x0  }
0x14: {  	s2 =	sld [smem:$0x3F9C];
	s0 =	simm.s32 @p1 $0x1  }
0x15: {  	[smem:$0x3FB9] =	sst s0;
	s0 =	simm.s32 @!p2 $0x0  }
0x16: {  	s3 =	sld [smem:$0x3FDB];
	s0 =	simm.s32 @p2 $0x1  }
0x17: {  	s4 =	simm.s32 $0x1BF5;
	[smem:$0x3FBB] =	sst s0  }
0x18: {  	s0 =	sld [smem:$0x3F9E];
	_ =	swait.ge [sflag:s4], $0x0  }
0x19: {  	s7 =	sld [smem:$0x3F9F]  }
0x1a: {  	s8 =	sadd.s32 $0xFFFFE003, lr  }
0x1b: {  	s9 =	sadd.s32 $0xFFFFFEF7, lr;
	s5 =	simm.s32 $0xFFFFFFFF;
	p2 =	slt.u32 s8, $0xFFFFF086  }
0x1c: {  	p1 =	slt.u32 s9, $0xF7A;
	s5 =	simm.s32 @!p2 $0x0  }
0x1d: {  	s5 =	simm.s32 @p1 $0x1;
	p0 =	seq.s32 s7, s2  }
0x1e: {  	s7 =	smul.u32 @!p0 $0xF7A, s2;
	p2 =	seq.s32 @!p0 s5, $0x0  }
0x1f: {  	s9 =	smul.u32 $0xF7A, s1;
	s8 =	simm.s32 @!p0 $0x1BF5;
	p2 =	por !p2, p0  }
0x20: {  	[sflag:s8] =	ssyncset.s32 @!p0 $0xFFFFF086;
	s6 =	sadd.s32 @!p0 s3, s7;
	s7 =	simm.s32 @!p0 $0x108  }
0x21: {  	s3 =	sadd.s32 s3, s9;
	s6 =	sadd.s32 @!p0 $0x88, s6;
	s7 =	simm.s32 @p2 $0x1082  }
0x22: {  	[simem:s7], [sflag:s8] =	dma.local @!p0 [hbm:s6], $0xF7A  }
0x23: {  	s9 =	sor.u32 $0xD0000000, s2;
	s6 =	simm.s32 $0x108;
	_ =	swait.ge @!p0 [sflag:s8], $0x0  }
0x24: {  	s3 =	sadd.s32 $0x88, s3;
	s6 =	simm.s32 @!p1 $0x1082;
	[sflag:s4] =	ssyncset.s32 $0xFFFFF086  }
0x25: {  	[simem:s6], [sflag:s4] =	dma.local [hbm:s3], $0xF7A  }
0x26: {  	[smem:$0x3F9F] =	sst s1;
	(tag) =	ssettag s2;
	_ =	strace s9  }
0x27: {  	s1 =	sld [smem:$0x3FAF]  }
0x28: {  	s2 =	sld [smem:$0x3FB0]  }
0x29: {  	s4 =	sld [smem:$0x3FB2]  }
0x2a: {  	p0 =	seq.s32 s5, $0x0;
	s5 =	sld [smem:$0x3FB3]  }
0x2b: {  	s6 =	sld [smem:$0x3FB4]  }
0x2c: {  	s7 =	sld [smem:$0x3FB5]  }
0x2d: {  	s3 =	simm.s32 $0x108;
	s8 =	sld [smem:$0x3FB6]  }
0x2e: {  	s3 =	simm.s32 @!p0 $0x1082;
	s9 =	sld [smem:$0x3FB7]  }
0x2f: {  	lr =	sadd.s32 s0, s3;
	s0 =	sld [smem:$0x3FAE]  }
0x30: {  	s3 =	sld [smem:$0x3FB1]  }
0x31: {  	[smem:$0x3FBA] =	sst s10  }
0x32: {  	s10 =	sld [smem:$0x3FB8];
	_ =	sdelay $0x3  }
0x33: {  	p0 =	seq.s32 s10, $0x1;
	s10 =	sld [smem:$0x3FBA];
	_ =	sdelay $0x3  }
0x34: {  	[smem:$0x3FBA] =	sst s10  }
0x35: {  	s10 =	sld [smem:$0x3FB9];
	_ =	sdelay $0x3  }
0x36: {  	p1 =	seq.s32 s10, $0x1;
	s10 =	sld [smem:$0x3FBA];
	_ =	sdelay $0x3  }
0x37: {  	[smem:$0x3FBA] =	sst s10  }
0x38: {  	s10 =	sld [smem:$0x3FBB]  }
0x39: {  	_ = 	snop;
	(pc) =	sbr.ind lr, $3  }
0x3a: {  	_ = 	snop  }
0x3b: {  	_ = 	snop  }
0x3c: {  	p2 =	seq.s32 s10, $0x1;
	s10 =	sld [smem:$0x3FBA]  }
0x3d: {  	_ =	shalt  }
0x3e: {  	_ =	shalt  }
0x3f: {  	_ =	shalt  }
0x40: {  	_ =	shalt  }
0x41: {  	_ =	shalt  }
0x42: {  	_ =	shalt  }
0x43: {  	_ =	shalt  }
0x44: {  	_ =	shalt  }
0x45: {  	_ =	shalt  }
0x46: {  	_ =	shalt  }
0x47: {  	_ =	shalt  }
0x48: {  	_ =	shalt  }
0x49: {  	_ =	shalt  }
0x4a: {  	_ =	shalt  }
0x4b: {  	_ =	shalt  }
0x4c: {  	_ =	shalt  }
0x4d: {  	_ =	shalt  }
0x4e: {  	_ =	shalt  }
0x4f: {  	_ =	shalt  }
0x50: {  	_ =	shalt  }
0x51: {  	_ =	shalt  }
0x52: {  	_ =	shalt  }
0x53: {  	_ =	shalt  }
0x54: {  	_ =	shalt  }
0x55: {  	_ =	shalt  }
0x56: {  	_ =	shalt  }
0x57: {  	_ =	shalt  }
0x58: {  	_ =	shalt  }
0x59: {  	_ =	shalt  }
0x5a: {  	_ =	shalt  }
0x5b: {  	_ =	shalt  }
0x5c: {  	_ =	shalt  }
0x5d: {  	_ =	shalt  }
0x5e: {  	_ =	shalt  }
0x5f: {  	_ =	shalt  }
0x60: {  	_ =	shalt  }
0x61: {  	_ =	shalt  }
0x62: {  	_ =	shalt  }
0x63: {  	_ =	shalt  }
0x64: {  	_ =	shalt  }
0x65: {  	_ =	shalt  }
0x66: {  	_ =	shalt  }
0x67: {  	_ =	shalt  }
0x68: {  	_ =	shalt  }
0x69: {  	_ =	shalt  }
0x6a: {  	_ =	shalt  }
0x6b: {  	_ =	shalt  }
0x6c: {  	_ =	shalt  }
0x6d: {  	_ =	shalt  }
0x6e: {  	_ =	shalt  }
0x6f: {  	_ =	shalt  }
0x70: {  	_ =	shalt  }
0x71: {  	_ =	shalt  }
0x72: {  	_ =	shalt  }
0x73: {  	_ =	shalt  }
0x74: {  	_ =	shalt  }
0x75: {  	_ =	shalt  }
0x76: {  	_ =	shalt  }
0x77: {  	_ =	shalt  }
0x78: {  	_ =	shalt  }
0x79: {  	_ =	shalt  }
0x7a: {  	_ =	shalt  }
0x7b: {  	_ =	shalt  }
0x7c: {  	_ =	shalt  }
0x7d: {  	_ =	shalt  }
0x7e: {  	_ =	shalt  }
0x7f: {  	_ =	shalt  }
0x80: {  	_ =	shalt  }
0x81: {  	_ =	shalt  }
0x82: {  	_ =	shalt  }
0x83: {  	_ =	shalt  }
0x84: {  	_ =	shalt  }
0x85: {  	_ =	shalt  }
0x86: {  	_ =	shalt  }
0x87: {  	_ =	shalt  }
.Lfunc_end0:
.L_simem_size_0:
called_computation_lowered:
.L_overlay_start_0:
0x88: {  	s2 =	sld [smem:$0x3FD9]  }
0x89: {  	s3 =	sld [smem:$0x3FFE];
	_ =	sdelay $0x1  }
0x8a: {  	s1 =	srdreg.scid  }
0x8b: {  	s0 =	sand.u32 $0x1, s1  }
0x8c: {  	s17 =	sshll.u32 s0, $0xA;
	s2 =	sadd.s32 s3, s2  }
0x8d: {  	s2 =	sadd.s32 s2, s17  }
0x8e: {  	[smem:$0x3FC6] =	sst s2  }
0x8f: {  	_ = 	snop  }
0x90: {  	s2 =	sld [smem:$0x3FC8]  }
0x91: {  	s18 =	sld [smem:$0x3FD0];
	(tm) =	ssettm $0x1  }
0x92: {  	s4 =	sld [smem:$0x3FFB];
	_ =	sdelay $0x3  }
0x93: {  	_ =	strace s4  }
0x94: {  	s4 =	sld [smem:$0x3FFC];
	_ =	sdelay $0x3  }
0x95: {  	_ =	strace s4  }
0x96: {  	s4 =	sld [smem:$0x3FFD];
	_ =	sdelay $0x3  }
0x97: {  	_ =	strace s4  }
0x98: {  	_ =	strace $0x8FFFFFFF  }
0x99: {  	s19 =	sld [smem:$0x3FDB];
	_ =	sdelay $0x1  }
0x9a: {  	s5 =	simm.s32 $_scs_section_size  }
0x9b: {  	s6 =	simm.s32 $_size__tile_overlayer_lowered;
	s7 =	simm.s32 $_tile_overlayer_lowered  }
0x9c: {  	s22 =	simm.s32 $0x1BFF;
	s21 =	sshll.u32 s7, $0x1;
	s4 =	sadd.s32 s5, s19  }
0x9d: {  	s8 =	simm.s32 $0x0;
	s20 =	sshll.u32 s6, $0x1;
	s6 =	sadd.s32 s21, s4  }
0x9e: {  	[timem:s8], [sflag:s22] =	dma.local [hbm:s6], s20  }
0x9f: {  	_ =	swait.ge [sflag:s22], s20  }
0xa0: {  	s5 =	ssub.s32 $0x0, s20;
	[sflag:s22] =	ssyncset.done $0x0  }
0xa1: {  	[sflag:s22] =	ssyncadd.s32 s5;
	_ =	sdelay $0x1  }
0xa2: {  	s23 =	simm.s32 $0x1B8B  }
0xa3: {  	_ =	swait.ge [sflag:s23], $0x1  }
0xa4: {  	[sflag:s23] =	ssyncset.done $0x0  }
0xa5: {  	s25 =	simm.s32 $0x1B8E;
	s24 =	sld [smem:$0x3FFE];
	[sflag:s23] =	ssyncadd.s32 $0xFFFFFFFF  }
0xa6: {  	s26 =	simm.s32 $execute0_lowered;
	[smem:$0x3FD2] =	sst s25  }
0xa7: {  	s6 =	sshll.u32 s26, $0x1;
	_ =	strace $0x80000046;
	[dreg:$0x1] =	wrdreg $0xFFFFFFFF  }
0xa8: {  	s28 =	simm.s32 $_size_execute0_lowered;
	s4 =	sadd.s32 s4, s6;
	[dreg:$0x0] =	wrdreg $0x0  }
0xa9: {  	s6 =	sshll.u32 s28, $0x1;
	[dreg:$0x2] =	wrdreg s4  }
0xaa: {  	[dreg:$0x3] =	wrdreg s6  }
0xab: {  	[dreg:$0x4] =	wrdreg $0xC0  }
0xac: {  	_ =	task [dreg:s8], $0x5FFFF  }
0xad: {  	[dreg:$0x1] =	wrdreg $0xFFFFFFFF  }
0xae: {  	[dreg:$0x0] =	wrdreg $0x60  }
0xaf: {  	[dreg:$0x2] =	wrdreg s24  }
0xb0: {  	[dreg:$0x3] =	wrdreg s2  }
0xb1: {  	[dreg:$0x4] =	wrdreg s18  }
0xb2: {  	[dreg:$0x5] =	wrdreg $0x15C000  }
0xb3: {  	[dreg:$0x6] =	wrdreg $0x9  }
0xb4: {  	_ =	task.clear_ibuf [dreg:s8], $0x7FFFF;
	_ =	strace $0x90000046  }
0xb5: {  	s29 =	simm.s32 $0x9;
	_ =	strace $0x80000048  }
0xb6: {  	_ =	swait.ge [sflag:s29], $0x1  }
0xb7: {  	[sflag:s29] =	ssyncadd.s32 $0xFFFFFFFF  }
0xb8: {  	_ =	strace $0x90000048  }
0xb9: {  	_ =	sfence  }
0xba: {  	s30 =	sld [smem:$0x0];
	_ =	sdelay $0x2  }
0xbb: {  	s31 =	sshll.u32 s1, $0xD;
	s1 =	sshrl.u32 s1, $0x2  }
0xbc: {  	s3 =	sand.u32 $0x4000, s31;
	s1 =	sadd.s32 s1, s30  }
0xbd: {  	s0 =	sor.u32 s3, s0;
	s1 =	sshll.u32 s1, $0x11  }
0xbe: {  	s0 =	sor.u32 s1, s0  }
0xbf: {  	s0 =	sadd.s32 $0x8F2B, s0  }
0xc0: {  	[sflag:s0] =	ssyncadd.remote.s32 $0x1  }
0xc1: {  	_ =	sfence.sel $0xFFFF  }
0xc2: {  	[dreg:$0x0] =	wrdreg $0xFFFFFFFF;
	(pc) =	sbr.abs _section_cstart, $3  }
0xc3: {  	[dreg:$0x1] =	wrdreg $0xFFFFFFFF  }
0xc4: {  	_ =	task.clear_ibuf [dreg:s8], $0x2FFFF;
	_ =	strace $0x9FFFFFFF  }
0xc5: {  	(tm) =	ssettm $0x7FFFFFFF  }
tec
execute0_lowered:
.L_overlay_start_1:
0x0: {  	(tag) =	ssettag $0x1  }
0x1: {  	s4 =	rddreg [dreg:$0x0]  }
0x2: {  	s1 =	srdreg.scid;
	s6 =	rddreg [dreg:$0x2]  }
0x3: {  	s5 =	stileid.u32;
	s2 =	rddreg [dreg:$0x3]  }
0x4: {  	s3 =	simm.s32 $0x0;
	s12 =	simm.s32 $0x100;
	s13 =	simm.s32 $0x9C00  }
0x5: {  	s14 =	simm.s32 $0x180;
	s15 =	simm.s32 $0xDC00;
	s16 =	simm.s32 $0x200  }
0x6: {  	s17 =	simm.s32 $0x11C00;
	s18 =	simm.s32 $0x1;
	s19 =	simm.s32 $0x2  }
0x7: {  	s20 =	simm.s32 $0x3;
	s21 =	simm.s32 $0x4;
	s22 =	simm.s32 $0x5  }
0x8: {  	s23 =	simm.s32 $0x6;
	s24 =	simm.s32 $0x7;
	s25 =	simm.s32 $0x8  }
0x9: {  	s26 =	simm.s32 $0x9;
	s28 =	simm.s32 $0xA;
	s29 =	simm.s32 $0x0  }
0xa: {  	s7 =	sand.u32 $0x1, s1;
	s30 =	sshll.u32 s5, $0x1;
	s10 =	smul.u32 $0x32000, s5  }
0xb: {  	s8 =	sor.u32 s7, s30;
	s9 =	ssub.s32 $0x2, s7;
	s7 =	smul.u32 $0x19000, s7  }
0xc: {  	[smem:$0x7FF] =	sst s3;
	p0 =	sne.s32 s5, $0x0;
	s8 =	smul.u32 $0x380, s8  }
.Ltmp0:
0xd: {  	_ =	strace $0x80000047;
	s11 =	sshrl.u32 s9, $0x1;
	(pc) =	sbr.rel .LBB2_1-.Ltmp0, $4  }
0xe: {  	s6 =	sadd.s32 s10, s6;
	s10 =	simm.s32 $0x1C00;
	s31 =	ssub.s32 s9, s11  }
0xf: {  	s6 =	sadd.s32 s7, s6;
	s7 =	sshrl.u32 @!p0 s2, $0x3;
	s9 =	simm.s32 $0x80  }
0x10: {  	s11 =	simm.s32 $0x5C00;
	s4 =	sadd.s32 s8, s4;
	s5 =	smax.u32 s31, $0x1  }
0x11: {  	s6 =	sadd.s32 $0x2000, s6;
	s8 =	simm.s32 $0xB;
	s4 =	sadd.s32 $0x400, s4  }
.LBB2_4:
0x12: {  	_ =	swait.ge [sflag:s24], $0x4000  }
0x13: {  	[sflag:s24] =	ssyncset.done $0x0  }
0x14: {  	[sflag:s24] =	ssyncadd.s32 $0xFFFFC000  }
0x15: {  	_ =	swait.ge [sflag:s25], $0x4000  }
0x16: {  	[sflag:s25] =	ssyncset.done $0x0  }
0x17: {  	s29 =	sadd.s32 $0x1, s29;
	[sflag:s25] =	ssyncadd.s32 $0xFFFFC000  }
0x18: {  	p1 =	sne.s32 s29, s5;
	_ =	swait.ge [sflag:s26], $0x4000  }
.Ltmp1:
0x19: {  	[sflag:s26] =	ssyncset.done $0x0;
	(pc) =	sbr.rel @!p1 .LBB2_5-.Ltmp1, $4  }
0x1a: {  	[sflag:s26] =	ssyncadd.s32 $0xFFFFC000  }
0x1b: {  	_ =	swait.ge [sflag:s28], $0x4000  }
0x1c: {  	[sflag:s28] =	ssyncset.done $0x0  }
0x1d: {  	[sflag:s28] =	ssyncadd.s32 $0xFFFFC000  }
.LBB2_1:
0x1e: {  	s30 =	simm.s32 @!p0 $0x1C0B;
	s0 =	rddreg [dreg:$0x1]  }
0x1f: {  	[spmem:s7], [sflag:s30] =	dma.local @!p0 [hbm:s0], $0x150  }
0x20: {  	s30 =	simm.s32 @!p0 $0xB  }
0x21: {  	_ =	swait.ge @!p0 [sflag:s30], $0x150  }
0x22: {  	[sflag:s30] =	ssyncset.done @!p0 $0x0  }
0x23: {  	[sflag:s30] =	ssyncadd.s32 @!p0 $0xFFFFFEB0  }
0x24: {  	[tilespmem:s3], [sflag:$0xB] =	stream.linear.gather [hbm4b:s4+s3], $0x1900, $0x38;
	[tilespmem:$0x15CA8] =	vst v63  }
0x25: {  	_ =	swait.ge [sflag:s8], $0x1900  }
0x26: {  	[sflag:s8] =	ssyncset.done $0x0  }
0x27: {  	[sflag:s8] =	ssyncadd.s32 $0xFFFFE700  }
0x28: {  	[bflag:$0x0] =	sbarrier.arrive $0xFFFF  }
0x29: {  	[tilespmem:s10], [sflag:$0x1] =	stream.indirect.gather [spmem:s2], $0x80, s3, s9, $0xb8;
	[tilespmem:$0x15CA8] =	vst v63  }
0x2a: {  	_ = 	snop  }
0x2b: {  	[tilespmem:s11], [sflag:$0x2] =	stream.indirect.gather [spmem:s2], $0x80, s9, s9, $0xb8;
	[tilespmem:$0x15CA8] =	vst v63  }
0x2c: {  	_ = 	snop  }
0x2d: {  	[tilespmem:s13], [sflag:$0x3] =	stream.indirect.gather [spmem:s2], $0x80, s12, s9, $0xb8;
	[tilespmem:$0x15CA8] =	vst v63  }
0x2e: {  	_ = 	snop  }
0x2f: {  	[tilespmem:s15], [sflag:$0x4] =	stream.indirect.gather [spmem:s2], $0x80, s14, s9, $0xb8;
	[tilespmem:$0x15CA8] =	vst v63  }
0x30: {  	s31 =	simm.s32 $0x0;
	s30 =	smov.u32 s6  }
0x31: {  	[tilespmem:s17], [sflag:$0x5] =	stream.indirect.gather [spmem:s2], $0x80, s16, s9, $0xb8;
	[tilespmem:$0x15CA8] =	vst v63  }
.LBB2_2:
0x32: {  	_ =	swait.ge [sflag:s18], $0x4000  }
0x33: {  	[sflag:s18] =	ssyncset.done $0x0  }
0x34: {  	s1 =	sadd.s32 $0xFFFFE000, s30;
	[sflag:s18] =	ssyncadd.s32 $0xFFFFC000  }
0x35: {  	[hbm4b:s1+s3] =	stream.linear.scatter [tilespmem:s10], [sflag:$0x6], $0x4000, $0x38;
	[tilespmem:$0x15CA8] =	vst v63  }
0x36: {  	_ =	swait.ge [sflag:s19], $0x4000  }
0x37: {  	[sflag:s19] =	ssyncset.done $0x0  }
0x38: {  	s0 =	sadd.s32 $0xFFFFE800, s30;
	[sflag:s19] =	ssyncadd.s32 $0xFFFFC000  }
0x39: {  	[hbm4b:s0+s3] =	stream.linear.scatter [tilespmem:s11], [sflag:$0x7], $0x4000, $0x38;
	[tilespmem:$0x15CA8] =	vst v63  }
0x3a: {  	_ =	swait.ge [sflag:s20], $0x4000  }
0x3b: {  	[sflag:s20] =	ssyncset.done $0x0  }
0x3c: {  	s0 =	sadd.s32 $0xFFFFF000, s30;
	[sflag:s20] =	ssyncadd.s32 $0xFFFFC000  }
0x3d: {  	[hbm4b:s0+s3] =	stream.linear.scatter [tilespmem:s13], [sflag:$0x8], $0x4000, $0x38;
	[tilespmem:$0x15CA8] =	vst v63  }
0x3e: {  	_ =	swait.ge [sflag:s21], $0x4000  }
0x3f: {  	[sflag:s21] =	ssyncset.done $0x0  }
0x40: {  	s0 =	sadd.s32 $0xFFFFF800, s30;
	[sflag:s21] =	ssyncadd.s32 $0xFFFFC000  }
0x41: {  	[hbm4b:s0+s3] =	stream.linear.scatter [tilespmem:s15], [sflag:$0x9], $0x4000, $0x38;
	[tilespmem:$0x15CA8] =	vst v63  }
0x42: {  	_ =	swait.ge [sflag:s22], $0x4000  }
0x43: {  	p1 =	seq.s32 s31, $0x5A00;
	[sflag:s22] =	ssyncset.done $0x0  }
.Ltmp2:
0x44: {  	[sflag:s22] =	ssyncadd.s32 $0xFFFFC000;
	(pc) =	sbr.rel @p1 .LBB2_4-.Ltmp2, $4  }
0x45: {  	[hbm4b:s30+s3] =	stream.linear.scatter [tilespmem:s17], [sflag:$0xA], $0x4000, $0x38;
	[tilespmem:$0x15CA8] =	vst v63  }
0x46: {  	_ =	swait.ge [sflag:s23], $0x4000  }
0x47: {  	[sflag:s23] =	ssyncset.done $0x0  }
0x48: {  	[sflag:s23] =	ssyncadd.s32 $0xFFFFC000  }
0x49: {  	s1 =	sshra.s32 s31, $0x2  }
0x4a: {  	s0 =	sadd.s32 $0x280, s1  }
0x4b: {  	[tilespmem:s10], [sflag:$0x1] =	stream.indirect.gather [spmem:s2], $0x80, s0, s9, $0xb8;
	[tilespmem:$0x15CA8] =	vst v63  }
0x4c: {  	_ =	swait.ge [sflag:s24], $0x4000  }
0x4d: {  	[sflag:s24] =	ssyncset.done $0x0  }
0x4e: {  	s0 =	sadd.s32 $0x300, s1;
	[sflag:s24] =	ssyncadd.s32 $0xFFFFC000  }
0x4f: {  	[tilespmem:s11], [sflag:$0x2] =	stream.indirect.gather [spmem:s2], $0x80, s0, s9, $0xb8;
	[tilespmem:$0x15CA8] =	vst v63  }
0x50: {  	_ =	swait.ge [sflag:s25], $0x4000  }
0x51: {  	[sflag:s25] =	ssyncset.done $0x0  }
0x52: {  	s0 =	sadd.s32 $0x380, s1;
	[sflag:s25] =	ssyncadd.s32 $0xFFFFC000  }
0x53: {  	[tilespmem:s13], [sflag:$0x3] =	stream.indirect.gather [spmem:s2], $0x80, s0, s9, $0xb8;
	[tilespmem:$0x15CA8] =	vst v63  }
0x54: {  	_ =	swait.ge [sflag:s26], $0x4000  }
0x55: {  	[sflag:s26] =	ssyncset.done $0x0  }
0x56: {  	s0 =	sadd.s32 $0x400, s1;
	[sflag:s26] =	ssyncadd.s32 $0xFFFFC000  }
0x57: {  	[tilespmem:s15], [sflag:$0x4] =	stream.indirect.gather [spmem:s2], $0x80, s0, s9, $0xb8;
	[tilespmem:$0x15CA8] =	vst v63  }
.Ltmp3:
0x58: {  	_ = 	snop;
	(pc) =	sbr.rel .LBB2_2-.Ltmp3, $4  }
0x59: {  	_ =	swait.ge [sflag:s28], $0x4000  }
0x5a: {  	s31 =	sadd.s32 $0xA00, s31;
	[sflag:s28] =	ssyncset.done $0x0  }
0x5b: {  	s30 =	sadd.s32 $0x2800, s30;
	s1 =	sadd.s32 $0x480, s1;
	[sflag:s28] =	ssyncadd.s32 $0xFFFFC000  }
0x5c: {  	[tilespmem:s17], [sflag:$0x5] =	stream.indirect.gather [spmem:s2], $0x80, s1, s9, $0xb8;
	[tilespmem:$0x15CA8] =	vst v63  }
.LBB2_5:
0x5d: {  	_ =	sfence.sel $0x180000  }
0x5e: {  	[bflag:$0x0] =	sbarrier.arrive $0xFFFF  }
0x5f: {  	_ =	strace $0x90000047  }
0x60: {  	[bflag:$0x2] =	sbarrier.arrive $0xFFFF  }
0x61: {  	s0 =	rddreg [dreg:$0x4]  }
0x62: {  	s0 =	sadd.s32 @!p0 $0x100000, s0  }
0x63: {  	[sflag:s0] =	ssyncadd.tile.s32 @!p0 $0x1;
	_ =	shalt  }
.Lfunc_end2:
_tile_overlayer_lowered:
.L_overlay_start_2:
0x64: {  	(tag) =	ssettag $0x2  }
0x65: {  	s0 =	rddreg [dreg:$0x0];
	s2 =	stileid.u32  }
0x66: {  	s1 =	rddreg [dreg:$0x1];
	p0 =	sne.s32 s2, $0x0  }
0x67: {  	s3 =	rddreg [dreg:$0x2];
	[bflag:$0x3] =	sbarrier.arrive $0xFFFF;
	s2 =	simm.s32 @!p0 $0x1C0B  }
0x68: {  	[timem:s3], [sflag:s2] =	dma.local @!p0 [hbm:s0], s1  }
0x69: {  	s0 =	simm.s32 @!p0 $0xB  }
0x6a: {  	_ =	swait.ge @!p0 [sflag:s0], s1  }
0x6b: {  	s1 =	ssub.s32 @!p0 $0x0, s1;
	[sflag:s0] =	ssyncset.done @!p0 $0x0  }
0x6c: {  	[sflag:s0] =	ssyncadd.s32 @!p0 s1  }
0x6d: {  	[bflag:$0x3] =	sbarrier.arrive $0xFFFF  }
0x6e: {  	_ =	shalt  }

</sc_bundles>
